<compile_context>
chip_gen: v7x
topology: tpu7x:2x2x1
jax: 0.10.2.dev20260603
libtpu: 0.0.44.dev20260713+nightly
codegen_flags: <defaults>
</compile_context>

<pallas_src>
import functools
import numpy as np
import jax
import jax.numpy as jnp
from jax import lax
from jax.experimental import pallas as pl
from jax.experimental.pallas import tpu as pltpu
from jax.experimental.pallas import tpu_sc as plsc

STRUCTURE_MASK_TOKEN = 4097
STRUCTURE_PAD_TOKEN = 4100
SEQUENCE_MASK_TOKEN = 31

KS = (1832780943, 270669613)
KC = (64467757, 2916123636)
_ROT = ((13, 15, 26, 6), (17, 29, 16, 24))


def _i32(v):
    return jnp.int32(np.uint32(v).astype(np.int32))


def _tf_bits_i32(n, k0, k1):
    k2 = np.uint32(k0) ^ np.uint32(k1) ^ np.uint32(0x1BD11BDA)
    ks = (np.uint32(k0), np.uint32(k1), k2)
    x0 = jnp.full_like(n, _i32(k0))
    x1 = n + _i32(k1)
    for i in range(5):
        for r in _ROT[i % 2]:
            x0 = x0 + x1
            x1 = (x1 << jnp.int32(r)) | lax.shift_right_logical(x1, jnp.int32(32 - r))
            x1 = x0 ^ x1
        x0 = x0 + _i32(ks[(i + 1) % 3])
        x1 = x1 + _i32(int(ks[(i + 2) % 3]) + i + 1)
    return x0 ^ x1


N_TOTAL = 4 * 8192
NW = 32
CHUNK = N_TOTAL // NW
VECS = CHUNK // 16


def _sc_body(structure_hbm, sequence_hbm, thresh_hbm,
             out_struc_hbm, out_seq_hbm,
             sv, qv, tv, osv, oqv):
    wid = lax.axis_index("s") * 2 + lax.axis_index("c")
    base = wid * CHUNK
    pltpu.sync_copy(structure_hbm.at[pl.ds(base, CHUNK)], sv)
    pltpu.sync_copy(sequence_hbm.at[pl.ds(base, CHUNK)], qv)
    pltpu.sync_copy(thresh_hbm.at[wid], tv)
    thresh = tv[...]
    lanes = lax.iota(jnp.int32, 16)

    def body(i, _):
        sl = pl.ds(i * 16, 16)
        osv[sl] = sv[sl]
        oqv[sl] = qv[sl]
        return 0

    lax.fori_loop(0, VECS, body, 0)
    pltpu.sync_copy(osv, out_struc_hbm.at[pl.ds(base, CHUNK)])
    pltpu.sync_copy(oqv, out_seq_hbm.at[pl.ds(base, CHUNK)])


def kernel(structure, sequence, t):
    B, L = structure.shape
    thr = jnp.tile((jnp.float32(1.0) - t)[:, None], (1, 8 * 16)).reshape(NW, 16)
    mesh = plsc.VectorSubcoreMesh(core_axis_name="c", subcore_axis_name="s")
    k = pl.kernel(
        _sc_body,
        out_type=(
            jax.ShapeDtypeStruct((N_TOTAL,), jnp.int32),
            jax.ShapeDtypeStruct((N_TOTAL,), jnp.int32),
        ),
        mesh=mesh,
        scratch_types=[
            pltpu.VMEM((CHUNK,), jnp.int32),
            pltpu.VMEM((CHUNK,), jnp.int32),
            pltpu.VMEM((16,), jnp.float32),
            pltpu.VMEM((CHUNK,), jnp.int32),
            pltpu.VMEM((CHUNK,), jnp.int32),
        ],
    )
    out_struc, out_seq = k(structure.reshape(-1), sequence.reshape(-1), thr)
    return (out_struc.reshape(B, L), out_seq.reshape(B, L), t)

# --- scband reference (transcript-rebuilt; emitter-appended) ---
"""Pipeline reference for scband-flow-47571057770999 (READ-ONLY COPY).

The authoritative reference and input builder live on the scoring server;
editing this copy changes nothing except your own understanding.
"""

import jax, jax.numpy as jnp
import numpy as np

# Constants mirroring the external C module of the original code
VQVAE_CODEBOOK_SIZE = 4096
N_VQVAE_SPECIAL_TOKENS = 5
STRUCTURE_MASK_TOKEN = 4097
STRUCTURE_PAD_TOKEN = 4100
SEQUENCE_MASK_TOKEN = 31
SEQUENCE_PAD_TOKEN = 32
TRAIN_ASYNC = True

B, L = 4, 8192


def setup_inputs(seed: int = 0) -> dict:
    key = jax.random.key(seed)
    k1, k2, k3 = jax.random.split(key, 3)
    # token values strictly below the pad tokens, so pad_mask is all True and
    # the (structure pad) ^ (sequence pad) parity assertion of the torch code holds
    structure = jax.random.randint(k1, (B, L), 0, VQVAE_CODEBOOK_SIZE)
    sequence = jax.random.randint(k2, (B, L), 0, 31)
    t = jax.random.uniform(k3, (B,), dtype=jnp.float32)
    return {"structure": structure, "sequence": sequence, "t": t}


def reference(structure, sequence, t):
    # Faithful translation of Flow.forward (train_async=True branch)
    Bq, Lq = structure.shape
    pad_mask = structure != STRUCTURE_PAD_TOKEN
    seq_pad_mask = sequence != SEQUENCE_PAD_TOKEN
    # torch: assert not (pad_mask ^ seq_pad_mask).any()  -- holds by construction
    key = jax.random.key(42)
    ks, kc = jax.random.split(key)
    u_seq = jax.random.uniform(ks, (Bq, Lq), dtype=jnp.float32)
    u_struc = jax.random.uniform(kc, (Bq, Lq), dtype=jnp.float32)
    if TRAIN_ASYNC:
        seq_mask_index = (u_seq < 1.0 - t[:, None]) & pad_mask
        struc_mask_index = (u_struc < 1.0 - t[:, None]) & pad_mask
    else:
        mask_index = (u_seq < 1.0 - t[:, None]) & pad_mask
        seq_mask_index = struc_mask_index = mask_index
    noised_structure = jnp.where(struc_mask_index, STRUCTURE_MASK_TOKEN, structure)
    noised_seq = jnp.where(seq_mask_index, SEQUENCE_MASK_TOKEN, sequence)
    return (noised_structure, noised_seq, t)

if __name__ == "__main__":
    import jax
    _d = setup_inputs()
    print(jax.jit(kernel)(*tuple(_d.values())))

</pallas_src>

<mosaic_0001>
#map = affine_map<(d0, d1) -> (0)>
#map1 = affine_map<(d0, d1) -> (0, 0)>
module attributes {stable_mosaic.version = 14 : i64} {
  func.func @_sc_body(%arg0: i32, %arg1: i32, %arg2: memref<32768xi32, #tpu.memory_space<hbm>>, %arg3: memref<32768xi32, #tpu.memory_space<hbm>>, %arg4: memref<32x16xf32, #tpu.memory_space<hbm>>, %arg5: memref<32768xi32, #tpu.memory_space<hbm>>, %arg6: memref<32768xi32, #tpu.memory_space<hbm>>, %arg7: memref<1024xi32, #tpu.memory_space<vmem>>, %arg8: memref<1024xi32, #tpu.memory_space<vmem>>, %arg9: memref<16xf32, #tpu.memory_space<vmem>>, %arg10: memref<1024xi32, #tpu.memory_space<vmem>>, %arg11: memref<1024xi32, #tpu.memory_space<vmem>>) attributes {dimension_semantics = [#tpu.dimension_semantics<core_parallel>, #tpu.dimension_semantics<subcore_parallel>], iteration_bounds = array<i64: 2, 16>, scalar_prefetch = 0 : i64, scratch_operands = 5 : i64, tpu.core_type = #tpu.core_type<sc_vector_subcore>, window_params = [{transform_indices = #map}, {transform_indices = #map}, {transform_indices = #map1}, {transform_indices = #map}, {transform_indices = #map}]} {
    %mul3A = arith.constant 2 : i32
    %mul3A_0 = arith.muli %arg1, %mul3A : i32
    %add3A = arith.addi %mul3A_0, %arg0 : i32
    %mul3A_1 = arith.constant 1024 : i32
    %mul3A_2 = arith.muli %add3A, %mul3A_1 : i32
    "tpu.region"() ({
      %run_scoped3A = tpu.sem_alloc : memref<!tpu.dma_semaphore, #tpu.memory_space<semaphore_mem>>
      %dma_start3A = tpu.memref_slice %arg2[%mul3A_2] : memref<32768xi32, #tpu.memory_space<hbm>> -> memref<1024xi32, #tpu.memory_space<hbm>>
      %dma_start3A_11 = tpu.memref_slice %arg2[%mul3A_2] : memref<32768xi32, #tpu.memory_space<hbm>> -> memref<1024xi32, #tpu.memory_space<hbm>>
      tpu.enqueue_dma source(%dma_start3A_11 : memref<1024xi32, #tpu.memory_space<hbm>>) target(%arg7 : memref<1024xi32, #tpu.memory_space<vmem>>) target_semaphore(%run_scoped3A : memref<!tpu.dma_semaphore, #tpu.memory_space<semaphore_mem>>)
      %dma_wait3A = tpu.memref_slice %arg2[%mul3A_2] : memref<32768xi32, #tpu.memory_space<hbm>> -> memref<1024xi32, #tpu.memory_space<hbm>>
      %dma_wait3A_12 = tpu.memref_slice %arg2[%mul3A_2] : memref<32768xi32, #tpu.memory_space<hbm>> -> memref<1024xi32, #tpu.memory_space<hbm>>
      tpu.wait_dma2 semaphore(%run_scoped3A : memref<!tpu.dma_semaphore, #tpu.memory_space<semaphore_mem>>) src(%dma_wait3A_12 : memref<1024xi32, #tpu.memory_space<hbm>>) dst(%arg7 : memref<1024xi32, #tpu.memory_space<vmem>>)
      tpu.yield
    }) : () -> ()
    "tpu.region"() ({
      %run_scoped3A = tpu.sem_alloc : memref<!tpu.dma_semaphore, #tpu.memory_space<semaphore_mem>>
      %dma_start3A = tpu.memref_slice %arg3[%mul3A_2] : memref<32768xi32, #tpu.memory_space<hbm>> -> memref<1024xi32, #tpu.memory_space<hbm>>
      %dma_start3A_11 = tpu.memref_slice %arg3[%mul3A_2] : memref<32768xi32, #tpu.memory_space<hbm>> -> memref<1024xi32, #tpu.memory_space<hbm>>
      tpu.enqueue_dma source(%dma_start3A_11 : memref<1024xi32, #tpu.memory_space<hbm>>) target(%arg8 : memref<1024xi32, #tpu.memory_space<vmem>>) target_semaphore(%run_scoped3A : memref<!tpu.dma_semaphore, #tpu.memory_space<semaphore_mem>>)
      %dma_wait3A = tpu.memref_slice %arg3[%mul3A_2] : memref<32768xi32, #tpu.memory_space<hbm>> -> memref<1024xi32, #tpu.memory_space<hbm>>
      %dma_wait3A_12 = tpu.memref_slice %arg3[%mul3A_2] : memref<32768xi32, #tpu.memory_space<hbm>> -> memref<1024xi32, #tpu.memory_space<hbm>>
      tpu.wait_dma2 semaphore(%run_scoped3A : memref<!tpu.dma_semaphore, #tpu.memory_space<semaphore_mem>>) src(%dma_wait3A_12 : memref<1024xi32, #tpu.memory_space<hbm>>) dst(%arg8 : memref<1024xi32, #tpu.memory_space<vmem>>)
      tpu.yield
    }) : () -> ()
    "tpu.region"() ({
      %run_scoped3A = tpu.sem_alloc : memref<!tpu.dma_semaphore, #tpu.memory_space<semaphore_mem>>
      %dma_start3A = arith.constant 0 : i32
      %dma_start3A_11 = tpu.memref_slice %arg4[%add3A, %dma_start3A] : memref<32x16xf32, #tpu.memory_space<hbm>> -> memref<1x16xf32, #tpu.memory_space<hbm>>
      %dma_start3A_12 = tpu.memref_squeeze %dma_start3A_11 : memref<1x16xf32, #tpu.memory_space<hbm>> -> memref<16xf32, #tpu.memory_space<hbm>>
      %dma_start3A_13 = arith.constant 0 : i32
      %dma_start3A_14 = tpu.memref_slice %arg4[%add3A, %dma_start3A_13] : memref<32x16xf32, #tpu.memory_space<hbm>> -> memref<1x16xf32, #tpu.memory_space<hbm>>
      %dma_start3A_15 = tpu.memref_squeeze %dma_start3A_14 : memref<1x16xf32, #tpu.memory_space<hbm>> -> memref<16xf32, #tpu.memory_space<hbm>>
      tpu.enqueue_dma source(%dma_start3A_15 : memref<16xf32, #tpu.memory_space<hbm>>) target(%arg9 : memref<16xf32, #tpu.memory_space<vmem>>) target_semaphore(%run_scoped3A : memref<!tpu.dma_semaphore, #tpu.memory_space<semaphore_mem>>)
      %dma_wait3A = arith.constant 0 : i32
      %dma_wait3A_16 = tpu.memref_slice %arg4[%add3A, %dma_wait3A] : memref<32x16xf32, #tpu.memory_space<hbm>> -> memref<1x16xf32, #tpu.memory_space<hbm>>
      %dma_wait3A_17 = tpu.memref_squeeze %dma_wait3A_16 : memref<1x16xf32, #tpu.memory_space<hbm>> -> memref<16xf32, #tpu.memory_space<hbm>>
      %dma_wait3A_18 = arith.constant 0 : i32
      %dma_wait3A_19 = tpu.memref_slice %arg4[%add3A, %dma_wait3A_18] : memref<32x16xf32, #tpu.memory_space<hbm>> -> memref<1x16xf32, #tpu.memory_space<hbm>>
      %dma_wait3A_20 = tpu.memref_squeeze %dma_wait3A_19 : memref<1x16xf32, #tpu.memory_space<hbm>> -> memref<16xf32, #tpu.memory_space<hbm>>
      tpu.wait_dma2 semaphore(%run_scoped3A : memref<!tpu.dma_semaphore, #tpu.memory_space<semaphore_mem>>) src(%dma_wait3A_20 : memref<16xf32, #tpu.memory_space<hbm>>) dst(%arg9 : memref<16xf32, #tpu.memory_space<vmem>>)
      tpu.yield
    }) : () -> ()
    %get3A = arith.constant 0 : index
    %get3A_3 = tpu.vector_load %arg9[%get3A] {strides = array<i32>} : memref<16xf32, #tpu.memory_space<vmem>>, vector<16xf32>,
    %get3A_4 = vector.shape_cast %get3A_3 : vector<16xf32> to vector<16xf32>
    %iota3A = tpu.iota {dimensions = array<i32: 0>} : vector<16xi32>
    %scan3A = arith.constant 0 : i32
    %scan3A_5 = arith.constant 0 : i32
    %scan3A_6 = arith.constant 64 : i32
    %scan3A_7 = arith.addi %scan3A_5, %scan3A_6 : i32
    %scan3A_8 = arith.constant 1 : i32
    %scan3A_9 = scf.for %scan3A_11 = %scan3A_5 to %scan3A_7 step %scan3A_8 iter_args(%scan3A_12 = %scan3A) -> (i32)  : i32 {
      %mul3A_13 = arith.constant 16 : i32
      %mul3A_14 = arith.muli %scan3A_11, %mul3A_13 : i32
      %get3A_15 = arith.index_cast %mul3A_14 : i32 to index
      %get3A_16 = tpu.vector_load %arg7[%get3A_15] {strides = array<i32>} : memref<1024xi32, #tpu.memory_space<vmem>>, vector<16xi32>,
      %get3A_17 = vector.shape_cast %get3A_16 : vector<16xi32> to vector<16xi32>
      %swap3A = arith.index_cast %mul3A_14 : i32 to index
      %swap3A_18 = tpu.vector_load %arg10[%swap3A] {strides = array<i32>} : memref<1024xi32, #tpu.memory_space<vmem>>, vector<16xi32>,
      %swap3A_19 = vector.shape_cast %swap3A_18 : vector<16xi32> to vector<16xi32>
      %swap3A_20 = vector.shape_cast %get3A_17 : vector<16xi32> to vector<16xi32>
      tpu.vector_store %arg10[%swap3A], %swap3A_20 {strides = array<i32>} : memref<1024xi32, #tpu.memory_space<vmem>>, vector<16xi32>,
      %get3A_21 = arith.index_cast %mul3A_14 : i32 to index
      %get3A_22 = tpu.vector_load %arg8[%get3A_21] {strides = array<i32>} : memref<1024xi32, #tpu.memory_space<vmem>>, vector<16xi32>,
      %get3A_23 = vector.shape_cast %get3A_22 : vector<16xi32> to vector<16xi32>
      %swap3A_24 = arith.index_cast %mul3A_14 : i32 to index
      %swap3A_25 = tpu.vector_load %arg11[%swap3A_24] {strides = array<i32>} : memref<1024xi32, #tpu.memory_space<vmem>>, vector<16xi32>,
      %swap3A_26 = vector.shape_cast %swap3A_25 : vector<16xi32> to vector<16xi32>
      %swap3A_27 = vector.shape_cast %get3A_23 : vector<16xi32> to vector<16xi32>
      tpu.vector_store %arg11[%swap3A_24], %swap3A_27 {strides = array<i32>} : memref<1024xi32, #tpu.memory_space<vmem>>, vector<16xi32>,
      %scan3A_28 = arith.constant 0 : i32
      scf.yield %scan3A_28 : i32
    }
    %scan3A_10 = arith.constant 64 : i32
    "tpu.region"() ({
      %run_scoped3A = tpu.sem_alloc : memref<!tpu.dma_semaphore, #tpu.memory_space<semaphore_mem>>
      %dma_start3A = tpu.memref_slice %arg5[%mul3A_2] : memref<32768xi32, #tpu.memory_space<hbm>> -> memref<1024xi32, #tpu.memory_space<hbm>>
      %dma_start3A_11 = tpu.memref_slice %arg5[%mul3A_2] : memref<32768xi32, #tpu.memory_space<hbm>> -> memref<1024xi32, #tpu.memory_space<hbm>>
      tpu.enqueue_dma source(%arg10 : memref<1024xi32, #tpu.memory_space<vmem>>) target(%dma_start3A_11 : memref<1024xi32, #tpu.memory_space<hbm>>) target_semaphore(%run_scoped3A : memref<!tpu.dma_semaphore, #tpu.memory_space<semaphore_mem>>)
      %dma_wait3A = tpu.memref_slice %arg5[%mul3A_2] : memref<32768xi32, #tpu.memory_space<hbm>> -> memref<1024xi32, #tpu.memory_space<hbm>>
      %dma_wait3A_12 = tpu.memref_slice %arg5[%mul3A_2] : memref<32768xi32, #tpu.memory_space<hbm>> -> memref<1024xi32, #tpu.memory_space<hbm>>
      tpu.wait_dma2 semaphore(%run_scoped3A : memref<!tpu.dma_semaphore, #tpu.memory_space<semaphore_mem>>) src(%arg10 : memref<1024xi32, #tpu.memory_space<vmem>>) dst(%dma_wait3A_12 : memref<1024xi32, #tpu.memory_space<hbm>>)
      tpu.yield
    }) : () -> ()
    "tpu.region"() ({
      %run_scoped3A = tpu.sem_alloc : memref<!tpu.dma_semaphore, #tpu.memory_space<semaphore_mem>>
      %dma_start3A = tpu.memref_slice %arg6[%mul3A_2] : memref<32768xi32, #tpu.memory_space<hbm>> -> memref<1024xi32, #tpu.memory_space<hbm>>
      %dma_start3A_11 = tpu.memref_slice %arg6[%mul3A_2] : memref<32768xi32, #tpu.memory_space<hbm>> -> memref<1024xi32, #tpu.memory_space<hbm>>
      tpu.enqueue_dma source(%arg11 : memref<1024xi32, #tpu.memory_space<vmem>>) target(%dma_start3A_11 : memref<1024xi32, #tpu.memory_space<hbm>>) target_semaphore(%run_scoped3A : memref<!tpu.dma_semaphore, #tpu.memory_space<semaphore_mem>>)
      %dma_wait3A = tpu.memref_slice %arg6[%mul3A_2] : memref<32768xi32, #tpu.memory_space<hbm>> -> memref<1024xi32, #tpu.memory_space<hbm>>
      %dma_wait3A_12 = tpu.memref_slice %arg6[%mul3A_2] : memref<32768xi32, #tpu.memory_space<hbm>> -> memref<1024xi32, #tpu.memory_space<hbm>>
      tpu.wait_dma2 semaphore(%run_scoped3A : memref<!tpu.dma_semaphore, #tpu.memory_space<semaphore_mem>>) src(%arg11 : memref<1024xi32, #tpu.memory_space<vmem>>) dst(%dma_wait3A_12 : memref<1024xi32, #tpu.memory_space<hbm>>)
      tpu.yield
    }) : () -> ()
    return
  }
}

</mosaic_0001>

<sc_bundles>
// kernel: kernel.3.cloned.1.call-start
scs
__scs_entry_jumppad:
0x0: {  	(pc) =	sbr.rel $0x88, $3  }
0x1: {  	(tag) =	ssettag $0x0;
	lr =	simm.s32 $0x1  }
0x2: {  	[smem:$0x3F9E] =	sst lr;
	_ =	strace $0xD0000000  }
0x3: {  	_ = 	snop  }
0x4: {  	_ = 	snop  }
0x5: {  	_ = 	snop  }
0x6: {  	_ = 	snop  }
0x7: {  	_ = 	snop  }
__scs_overlays_trampoline_lowered:
0x8: {  	[smem:$0x3FAD] =	sst s0  }
0x9: {  	[smem:$0x3FAE] =	sst s1  }
0xa: {  	[smem:$0x3FAF] =	sst s2  }
0xb: {  	[smem:$0x3FB0] =	sst s3  }
0xc: {  	[smem:$0x3FB1] =	sst s4  }
0xd: {  	[smem:$0x3FB2] =	sst s5  }
0xe: {  	[smem:$0x3FB3] =	sst s6  }
0xf: {  	[smem:$0x3FB4] =	sst s7  }
0x10: {  	[smem:$0x3FB5] =	sst s8  }
0x11: {  	[smem:$0x3FB6] =	sst s9;
	s0 =	simm.s32 @!p0 $0x0  }
0x12: {  	s1 =	sld [smem:$0x3F9C];
	s0 =	simm.s32 @p0 $0x1  }
0x13: {  	[smem:$0x3FB7] =	sst s0;
	s0 =	simm.s32 @!p1 $0x0  }
0x14: {  	s2 =	sld [smem:$0x3F9B];
	s0 =	simm.s32 @p1 $0x1  }
0x15: {  	[smem:$0x3FB8] =	sst s0;
	s0 =	simm.s32 @!p2 $0x0  }
0x16: {  	s3 =	sld [smem:$0x3FDB];
	s0 =	simm.s32 @p2 $0x1  }
0x17: {  	s4 =	simm.s32 $0x1BF5;
	[smem:$0x3FBA] =	sst s0  }
0x18: {  	s0 =	sld [smem:$0x3F9D];
	_ =	swait.ge [sflag:s4], $0x0  }
0x19: {  	s7 =	sld [smem:$0x3F9E]  }
0x1a: {  	s8 =	sadd.s32 $0xFFFFE003, lr  }
0x1b: {  	s9 =	sadd.s32 $0xFFFFFEF7, lr;
	s5 =	simm.s32 $0xFFFFFFFF;
	p2 =	slt.u32 s8, $0xFFFFF086  }
0x1c: {  	p1 =	slt.u32 s9, $0xF7A;
	s5 =	simm.s32 @!p2 $0x0  }
0x1d: {  	s5 =	simm.s32 @p1 $0x1;
	p0 =	seq.s32 s7, s2  }
0x1e: {  	s7 =	smul.u32 @!p0 $0xF7A, s2;
	p2 =	seq.s32 @!p0 s5, $0x0  }
0x1f: {  	s9 =	smul.u32 $0xF7A, s1;
	s8 =	simm.s32 @!p0 $0x1BF5;
	p2 =	por !p2, p0  }
0x20: {  	[sflag:s8] =	ssyncset.s32 @!p0 $0xFFFFF086;
	s6 =	sadd.s32 @!p0 s3, s7;
	s7 =	simm.s32 @!p0 $0x108  }
0x21: {  	s3 =	sadd.s32 s3, s9;
	s6 =	sadd.s32 @!p0 $0x88, s6;
	s7 =	simm.s32 @p2 $0x1082  }
0x22: {  	[simem:s7], [sflag:s8] =	dma.local @!p0 [hbm:s6], $0xF7A  }
0x23: {  	s9 =	sor.u32 $0xD0000000, s2;
	s6 =	simm.s32 $0x108;
	_ =	swait.ge @!p0 [sflag:s8], $0x0  }
0x24: {  	s3 =	sadd.s32 $0x88, s3;
	s6 =	simm.s32 @!p1 $0x1082;
	[sflag:s4] =	ssyncset.s32 $0xFFFFF086  }
0x25: {  	[simem:s6], [sflag:s4] =	dma.local [hbm:s3], $0xF7A  }
0x26: {  	[smem:$0x3F9E] =	sst s1;
	(tag) =	ssettag s2;
	_ =	strace s9  }
0x27: {  	s1 =	sld [smem:$0x3FAE]  }
0x28: {  	s2 =	sld [smem:$0x3FAF]  }
0x29: {  	s4 =	sld [smem:$0x3FB1]  }
0x2a: {  	p0 =	seq.s32 s5, $0x0;
	s5 =	sld [smem:$0x3FB2]  }
0x2b: {  	s6 =	sld [smem:$0x3FB3]  }
0x2c: {  	s7 =	sld [smem:$0x3FB4]  }
0x2d: {  	s3 =	simm.s32 $0x108;
	s8 =	sld [smem:$0x3FB5]  }
0x2e: {  	s3 =	simm.s32 @!p0 $0x1082;
	s9 =	sld [smem:$0x3FB6]  }
0x2f: {  	lr =	sadd.s32 s0, s3;
	s0 =	sld [smem:$0x3FAD]  }
0x30: {  	s3 =	sld [smem:$0x3FB0]  }
0x31: {  	[smem:$0x3FB9] =	sst s10  }
0x32: {  	s10 =	sld [smem:$0x3FB7];
	_ =	sdelay $0x3  }
0x33: {  	p0 =	seq.s32 s10, $0x1;
	s10 =	sld [smem:$0x3FB9];
	_ =	sdelay $0x3  }
0x34: {  	[smem:$0x3FB9] =	sst s10  }
0x35: {  	s10 =	sld [smem:$0x3FB8];
	_ =	sdelay $0x3  }
0x36: {  	p1 =	seq.s32 s10, $0x1;
	s10 =	sld [smem:$0x3FB9];
	_ =	sdelay $0x3  }
0x37: {  	[smem:$0x3FB9] =	sst s10  }
0x38: {  	s10 =	sld [smem:$0x3FBA]  }
0x39: {  	_ = 	snop;
	(pc) =	sbr.ind lr, $3  }
0x3a: {  	_ = 	snop  }
0x3b: {  	_ = 	snop  }
0x3c: {  	p2 =	seq.s32 s10, $0x1;
	s10 =	sld [smem:$0x3FB9]  }
0x3d: {  	_ =	shalt  }
0x3e: {  	_ =	shalt  }
0x3f: {  	_ =	shalt  }
0x40: {  	_ =	shalt  }
0x41: {  	_ =	shalt  }
0x42: {  	_ =	shalt  }
0x43: {  	_ =	shalt  }
0x44: {  	_ =	shalt  }
0x45: {  	_ =	shalt  }
0x46: {  	_ =	shalt  }
0x47: {  	_ =	shalt  }
0x48: {  	_ =	shalt  }
0x49: {  	_ =	shalt  }
0x4a: {  	_ =	shalt  }
0x4b: {  	_ =	shalt  }
0x4c: {  	_ =	shalt  }
0x4d: {  	_ =	shalt  }
0x4e: {  	_ =	shalt  }
0x4f: {  	_ =	shalt  }
0x50: {  	_ =	shalt  }
0x51: {  	_ =	shalt  }
0x52: {  	_ =	shalt  }
0x53: {  	_ =	shalt  }
0x54: {  	_ =	shalt  }
0x55: {  	_ =	shalt  }
0x56: {  	_ =	shalt  }
0x57: {  	_ =	shalt  }
0x58: {  	_ =	shalt  }
0x59: {  	_ =	shalt  }
0x5a: {  	_ =	shalt  }
0x5b: {  	_ =	shalt  }
0x5c: {  	_ =	shalt  }
0x5d: {  	_ =	shalt  }
0x5e: {  	_ =	shalt  }
0x5f: {  	_ =	shalt  }
0x60: {  	_ =	shalt  }
0x61: {  	_ =	shalt  }
0x62: {  	_ =	shalt  }
0x63: {  	_ =	shalt  }
0x64: {  	_ =	shalt  }
0x65: {  	_ =	shalt  }
0x66: {  	_ =	shalt  }
0x67: {  	_ =	shalt  }
0x68: {  	_ =	shalt  }
0x69: {  	_ =	shalt  }
0x6a: {  	_ =	shalt  }
0x6b: {  	_ =	shalt  }
0x6c: {  	_ =	shalt  }
0x6d: {  	_ =	shalt  }
0x6e: {  	_ =	shalt  }
0x6f: {  	_ =	shalt  }
0x70: {  	_ =	shalt  }
0x71: {  	_ =	shalt  }
0x72: {  	_ =	shalt  }
0x73: {  	_ =	shalt  }
0x74: {  	_ =	shalt  }
0x75: {  	_ =	shalt  }
0x76: {  	_ =	shalt  }
0x77: {  	_ =	shalt  }
0x78: {  	_ =	shalt  }
0x79: {  	_ =	shalt  }
0x7a: {  	_ =	shalt  }
0x7b: {  	_ =	shalt  }
0x7c: {  	_ =	shalt  }
0x7d: {  	_ =	shalt  }
0x7e: {  	_ =	shalt  }
0x7f: {  	_ =	shalt  }
0x80: {  	_ =	shalt  }
0x81: {  	_ =	shalt  }
0x82: {  	_ =	shalt  }
0x83: {  	_ =	shalt  }
0x84: {  	_ =	shalt  }
0x85: {  	_ =	shalt  }
0x86: {  	_ =	shalt  }
0x87: {  	_ =	shalt  }
.Lfunc_end0:
.L_simem_size_0:
called_computation_lowered:
.L_overlay_start_0:
0x88: {  	s2 =	sld [smem:$0x3FD9]  }
0x89: {  	s3 =	sld [smem:$0x3FFE];
	_ =	sdelay $0x1  }
0x8a: {  	s1 =	srdreg.scid  }
0x8b: {  	s0 =	sand.u32 $0x1, s1  }
0x8c: {  	s14 =	sshll.u32 s0, $0xA;
	s2 =	sadd.s32 s3, s2  }
0x8d: {  	s2 =	sadd.s32 s2, s14  }
0x8e: {  	[smem:$0x3FC5] =	sst s2  }
0x8f: {  	_ = 	snop  }
0x90: {  	s2 =	sld [smem:$0x3FD0];
	_ =	sdelay $0x2  }
0x91: {  	s15 =	simm.s32 $0xA;
	s4 =	simm.s32 $0x10  }
0x92: {  	[smem:s4], [sflag:s15] =	dma.local [hbm:s2], $0x1  }
0x93: {  	_ =	swait.eq [sflag:s15], $0x1  }
0x94: {  	[sflag:s15] =	ssyncset.done $0x0  }
0x95: {  	s16 =	sld [smem:$0x10];
	[sflag:s15] =	ssyncadd.s32 $0xFFFFFFFF  }
0x96: {  	s17 =	sld [smem:$0x11];
	(tm) =	ssettm $0x1  }
0x97: {  	s18 =	sld [smem:$0x3FFB];
	_ =	sdelay $0x3  }
0x98: {  	_ =	strace s18  }
0x99: {  	s4 =	sld [smem:$0x3FFC];
	_ =	sdelay $0x3  }
0x9a: {  	_ =	strace s4  }
0x9b: {  	s4 =	sld [smem:$0x3FFD];
	_ =	sdelay $0x3  }
0x9c: {  	_ =	strace s4  }
0x9d: {  	_ =	strace $0x8FFFFFFF  }
0x9e: {  	s19 =	sld [smem:$0x3FDB];
	_ =	sdelay $0x1  }
0x9f: {  	s5 =	simm.s32 $_scs_section_size  }
0xa0: {  	s6 =	simm.s32 $_size__tile_overlayer_lowered;
	s7 =	simm.s32 $_tile_overlayer_lowered  }
0xa1: {  	s22 =	simm.s32 $0x1BFF;
	s21 =	sshll.u32 s7, $0x1;
	s4 =	sadd.s32 s5, s19  }
0xa2: {  	s8 =	simm.s32 $0x0;
	s20 =	sshll.u32 s6, $0x1;
	s6 =	sadd.s32 s21, s4  }
0xa3: {  	[timem:s8], [sflag:s22] =	dma.local [hbm:s6], s20  }
0xa4: {  	_ =	swait.ge [sflag:s22], s20  }
0xa5: {  	s5 =	ssub.s32 $0x0, s20;
	[sflag:s22] =	ssyncset.done $0x0  }
0xa6: {  	[sflag:s22] =	ssyncadd.s32 s5;
	_ =	sdelay $0x1  }
0xa7: {  	s23 =	simm.s32 $0x1B8B  }
0xa8: {  	_ =	swait.ge [sflag:s23], $0x1  }
0xa9: {  	[sflag:s23] =	ssyncset.done $0x0  }
0xaa: {  	s25 =	simm.s32 $0x1B8E;
	s24 =	sld [smem:$0x3FFE];
	[sflag:s23] =	ssyncadd.s32 $0xFFFFFFFF  }
0xab: {  	s26 =	simm.s32 $execute0_lowered;
	[smem:$0x3FD2] =	sst s25  }
0xac: {  	s6 =	sshll.u32 s26, $0x1;
	_ =	strace $0x80000046;
	[dreg:$0x1] =	wrdreg $0xFFFFFFFF  }
0xad: {  	s28 =	simm.s32 $_size_execute0_lowered;
	s4 =	sadd.s32 s4, s6;
	[dreg:$0x0] =	wrdreg $0x0  }
0xae: {  	s6 =	sshll.u32 s28, $0x1;
	[dreg:$0x2] =	wrdreg s4  }
0xaf: {  	[dreg:$0x3] =	wrdreg s6  }
0xb0: {  	[dreg:$0x4] =	wrdreg $0xC0  }
0xb1: {  	_ =	task [dreg:s8], $0x5FFFF  }
0xb2: {  	[dreg:$0x1] =	wrdreg $0xFFFFFFFF  }
0xb3: {  	[dreg:$0x0] =	wrdreg $0x60  }
0xb4: {  	[dreg:$0x2] =	wrdreg s17  }
0xb5: {  	[dreg:$0x3] =	wrdreg s16  }
0xb6: {  	[dreg:$0x4] =	wrdreg s24  }
0xb7: {  	[dreg:$0x5] =	wrdreg $0x9  }
0xb8: {  	_ =	task.clear_ibuf [dreg:s8], $0x6FFFF;
	_ =	strace $0x90000046  }
0xb9: {  	s29 =	simm.s32 $0x9;
	_ =	strace $0x80000048  }
0xba: {  	_ =	swait.ge [sflag:s29], $0x1  }
0xbb: {  	[sflag:s29] =	ssyncadd.s32 $0xFFFFFFFF  }
0xbc: {  	_ =	strace $0x90000048  }
0xbd: {  	_ =	sfence  }
0xbe: {  	s30 =	sld [smem:$0x0];
	_ =	sdelay $0x2  }
0xbf: {  	s31 =	sshll.u32 s1, $0xD;
	s1 =	sshrl.u32 s1, $0x2  }
0xc0: {  	s3 =	sand.u32 $0x4000, s31;
	s1 =	sadd.s32 s1, s30  }
0xc1: {  	s0 =	sor.u32 s3, s0;
	s1 =	sshll.u32 s1, $0x11  }
0xc2: {  	s0 =	sor.u32 s1, s0  }
0xc3: {  	s0 =	sadd.s32 $0x8F2B, s0  }
0xc4: {  	[sflag:s0] =	ssyncadd.remote.s32 $0x1  }
0xc5: {  	_ =	sfence.sel $0xFFFF  }
0xc6: {  	[dreg:$0x0] =	wrdreg $0xFFFFFFFF;
	(pc) =	sbr.abs _section_cstart, $3  }
0xc7: {  	[dreg:$0x1] =	wrdreg $0xFFFFFFFF  }
0xc8: {  	_ =	task.clear_ibuf [dreg:s8], $0x2FFFF;
	_ =	strace $0x9FFFFFFF  }
0xc9: {  	(tm) =	ssettm $0x7FFFFFFF  }
tec
execute0_lowered:
.L_overlay_start_1:
0x0: {  	(tag) =	ssettag $0x1  }
0x1: {  	s3 =	rddreg [dreg:$0x0]  }
0x2: {  	s4 =	rddreg [dreg:$0x1]  }
0x3: {  	s5 =	rddreg [dreg:$0x2];
	s2 =	srdreg.scid  }
0x4: {  	s0 =	rddreg [dreg:$0x3];
	s1 =	stileid.u32;
	s11 =	simm.s32 $0x800  }
0x5: {  	s12 =	simm.s32 $0x880;
	s13 =	simm.s32 $0xC80;
	s14 =	simm.s32 $0x0  }
0x6: {  	s6 =	sand.u32 $0x1, s2;
	s2 =	simm.s32 $0x0;
	s7 =	sshll.u32 s1, $0x8  }
0x7: {  	s8 =	sshll.u32 s6, $0x7;
	[smem:$0x7FF] =	sst s2;
	s6 =	ssub.s32 $0x2, s6  }
0x8: {  	s7 =	sor.u32 s8, s7;
	_ =	strace $0x80000047;
	s9 =	sshrl.u32 s6, $0x1  }
0x9: {  	s8 =	sshrl.u32 s7, $0x3;
	s10 =	sadd.s32 s7, s5;
	s9 =	ssub.s32 s6, s9  }
0xa: {  	s3 =	sadd.s32 s3, s7;
	s4 =	sadd.s32 s4, s7;
	s8 =	sadd.s32 s8, s5  }
0xb: {  	s6 =	sadd.s32 $0x1000, s10;
	s7 =	sadd.s32 $0x2000, s10;
	s10 =	simm.s32 $0x400  }
0xc: {  	s5 =	sadd.s32 $0xE00, s8;
	s8 =	smax.u32 s9, $0x1;
	s9 =	simm.s32 $0x1  }
.LBB2_1:
0xd: {  	[tilespmem:s2], [sflag:$0x1] =	stream.linear.gather [hbm4b:s3+s2], $0x400, $0x38;
	[tilespmem:$0x1080] =	vst v63  }
0xe: {  	_ =	swait.ge [sflag:s9], $0x400  }
0xf: {  	[sflag:s9] =	ssyncset.done $0x0  }
0x10: {  	[sflag:s9] =	ssyncadd.s32 $0xFFFFFC00  }
0x11: {  	[tilespmem:s10], [sflag:$0x1] =	stream.linear.gather [hbm4b:s4+s2], $0x400, $0x38;
	[tilespmem:$0x1080] =	vst v63  }
0x12: {  	_ =	swait.ge [sflag:s9], $0x400  }
0x13: {  	[sflag:s9] =	ssyncset.done $0x0  }
0x14: {  	[sflag:s9] =	ssyncadd.s32 $0xFFFFFC00  }
0x15: {  	[tilespmem:s11], [sflag:$0x1] =	stream.linear.gather [hbm4b:s5+s2], $0x80, $0x38;
	[tilespmem:$0x1080] =	vst v63  }
0x16: {  	_ =	swait.ge [sflag:s9], $0x80  }
0x17: {  	[sflag:s9] =	ssyncset.done $0x0  }
0x18: {  	s15 =	simm.s32 $0x0;
	[sflag:s9] =	ssyncadd.s32 $0xFFFFFF80  }
0x19: {  	v0 =	vld [tilespmem:s15+$0x400]  }
0x1a: {  	s16 =	simm.s32 $0x40;
	v1 =	vld [tilespmem:s15+$0x0]  }
.LBB2_2:
0x1b: {  	p0 =	sne.s32 s16, $0xFC0  }
.Ltmp0:
0x1c: {  	_ = 	snop;
	(pc) =	sbr.rel @p0 .LBB2_2-.Ltmp0, $4  }
0x1d: {  	_ = 	snop  }
0x1e: {  	s17 =	sshra.s32 s16, $0x2;
	s16 =	sadd.s32 $0x40, s16;
	[tilespmem:s15+$0xC80] =	vst v0  }
0x1f: {  	v0 =	vld [tilespmem:s17+$0x400];
	[tilespmem:s15+$0x880] =	vst v1;
	s15 =	smov.u32 s17  }
0x20: {  	v1 =	vld [tilespmem:s15+$0x0]  }
0x21: {  	_ =	sdelay $0x2  }
0x22: {  	[tilespmem:s15+$0xC80] =	vst v0  }
0x23: {  	[tilespmem:s15+$0x880] =	vst v1  }
0x24: {  	[hbm4b:s6+s2] =	stream.linear.scatter [tilespmem:s12], [sflag:$0x1], $0x400, $0x38;
	[tilespmem:$0x1080] =	vst v63  }
0x25: {  	s14 =	sadd.s32 $0x1, s14;
	_ =	swait.ge [sflag:s9], $0x400  }
0x26: {  	p0 =	sne.s32 s14, s8;
	[sflag:s9] =	ssyncset.done $0x0  }
.Ltmp1:
0x27: {  	[sflag:s9] =	ssyncadd.s32 $0xFFFFFC00;
	(pc) =	sbr.rel @p0 .LBB2_1-.Ltmp1, $4  }
0x28: {  	[hbm4b:s7+s2] =	stream.linear.scatter [tilespmem:s13], [sflag:$0x1], $0x400, $0x38;
	[tilespmem:$0x1080] =	vst v63  }
0x29: {  	_ =	swait.ge [sflag:s9], $0x400  }
0x2a: {  	[sflag:s9] =	ssyncset.done $0x0  }
0x2b: {  	[sflag:s9] =	ssyncadd.s32 $0xFFFFFC00  }
0x2c: {  	_ =	sfence.sel $0x180000  }
0x2d: {  	[bflag:$0x0] =	sbarrier.arrive $0xFFFF  }
0x2e: {  	p0 =	sne.s32 s1, $0x0;
	_ =	strace $0x90000047  }
0x2f: {  	s0 =	sadd.s32 @!p0 $0x100000, s0;
	[bflag:$0x2] =	sbarrier.arrive $0xFFFF  }
0x30: {  	[sflag:s0] =	ssyncadd.tile.s32 @!p0 $0x1;
	_ =	shalt  }
.Lfunc_end2:
_tile_overlayer_lowered:
.L_overlay_start_2:
0x31: {  	(tag) =	ssettag $0x2  }
0x32: {  	s0 =	rddreg [dreg:$0x0];
	s2 =	stileid.u32  }
0x33: {  	s1 =	rddreg [dreg:$0x1];
	p0 =	sne.s32 s2, $0x0  }
0x34: {  	s3 =	rddreg [dreg:$0x2];
	[bflag:$0x3] =	sbarrier.arrive $0xFFFF;
	s2 =	simm.s32 @!p0 $0x1C01  }
0x35: {  	[timem:s3], [sflag:s2] =	dma.local @!p0 [hbm:s0], s1  }
0x36: {  	s0 =	simm.s32 @!p0 $0x1  }
0x37: {  	_ =	swait.ge @!p0 [sflag:s0], s1  }
0x38: {  	s1 =	ssub.s32 @!p0 $0x0, s1;
	[sflag:s0] =	ssyncset.done @!p0 $0x0  }
0x39: {  	[sflag:s0] =	ssyncadd.s32 @!p0 s1  }
0x3a: {  	[bflag:$0x3] =	sbarrier.arrive $0xFFFF  }
0x3b: {  	_ =	shalt  }

</sc_bundles>
